<compile_context>
chip_gen: v7x
topology: tpu7x:2x2x1
jax: 0.10.2.dev20260603
libtpu: 0.0.44.dev20260713+nightly
codegen_flags: <defaults>
</compile_context>

<pallas_src>
import functools

import jax
import jax.numpy as jnp
from jax import lax
from jax.experimental import pallas as pl
from jax.experimental.pallas import tpu as pltpu
from jax.experimental.pallas import tpu_sc as plsc

EDGE_COUNT = 100000
NP = 256
ACC = 2 * NP * 128
NC, NS, LANES = 2, 16, 16
NW = NC * NS
EPT = 3200
ZPT = ACC // NS


def _sc_body(src_hbm, dst_hbm, ea_hbm, out_hbm,
             src_v, dst_v, w_v, one_v, idxw_v, idxc_v, buf_v, sem, sem2,
             acc_sh):
    cid = lax.axis_index("c")
    sid = lax.axis_index("s")
    tile = cid * NS + sid
    base = tile * EPT

    start = jnp.minimum(base, EDGE_COUNT - EPT)
    cp_s = pltpu.async_copy(src_hbm.at[pl.ds(start, EPT)], src_v, sem)
    cp_d = pltpu.async_copy(dst_hbm.at[pl.ds(start, EPT)], dst_v, sem)
    cp_w = pltpu.async_copy(ea_hbm.at[pl.ds(start, EPT)], w_v, sem)

    def zloop(i, c):
        buf_v[pl.ds(i * LANES, LANES)] = jnp.zeros((LANES,), jnp.float32)
        return c
    lax.fori_loop(0, ZPT // LANES, zloop, 0)
    pltpu.sync_copy(buf_v, acc_sh.at[pl.ds(sid * ZPT, ZPT)])

    cp_s.wait()
    cp_d.wait()
    cp_w.wait()

    def iloop(r, c):
        lane = lax.iota(jnp.int32, LANES)
        off = r * LANES
        valid = (start + off + lane) >= base
        s = jnp.where(valid, src_v[pl.ds(off, LANES)], 0)
        d = jnp.where(valid, dst_v[pl.ds(off, LANES)], 0)
        w_v[pl.ds(off, LANES)] = jnp.where(valid, w_v[pl.ds(off, LANES)], 0.0)
        idxw_v[pl.ds(off, LANES)] = \
            (s >> 7) * (NP * 128) + d * 128 + (s & 127)
        idxc_v[pl.ds(off, LANES)] = (NP * 128) + d * 128 + 72 + lane
        one_v[pl.ds(off, LANES)] = jnp.where(valid, 1.0, 0.0)
        return c
    lax.fori_loop(0, EPT // LANES, iloop, 0)

    plsc.subcore_barrier()

    cp_a = pltpu.async_copy(w_v, acc_sh.at[idxw_v], sem, add=True)
    cp_b = pltpu.async_copy(one_v, acc_sh.at[idxc_v], sem2, add=True)
    cp_a.wait()
    cp_b.wait()

    plsc.subcore_barrier()

    pltpu.sync_copy(acc_sh.at[pl.ds(sid * ZPT, ZPT)], buf_v)
    pltpu.sync_copy(buf_v, out_hbm.at[pl.ds(cid * ACC + sid * ZPT, ZPT)])


@functools.cache
def _get_build_adj():
    return pl.kernel(
        _sc_body,
        out_type=jax.ShapeDtypeStruct((NC * ACC,), jnp.float32),
        mesh=plsc.VectorSubcoreMesh(core_axis_name="c", subcore_axis_name="s",
                                    num_cores=NC, num_subcores=NS),
        scratch_types=[
            pltpu.VMEM((EPT,), jnp.int32),
            pltpu.VMEM((EPT,), jnp.int32),
            pltpu.VMEM((EPT,), jnp.float32),
            pltpu.VMEM((EPT,), jnp.float32),
            pltpu.VMEM((EPT,), jnp.int32),
            pltpu.VMEM((EPT,), jnp.int32),
            pltpu.VMEM((ZPT,), jnp.float32),
            pltpu.SemaphoreType.DMA,
            pltpu.SemaphoreType.DMA,
            pltpu.VMEM_SHARED((ACC,), jnp.float32),
        ],
    )


def _tc_body(ap_ref, x_ref, wl1_ref, bl1_ref, wr1_ref, wl2_ref,
             bl2_ref, wr2_ref, w1_ref, b1_ref, w2_ref, b2_ref, w3_ref,
             b3_ref, o_ref):
    f32 = jnp.float32
    dot = functools.partial(lax.dot_general, preferred_element_type=f32)

    af = ap_ref[0:2 * NP] + ap_ref[2 * NP:4 * NP]
    a1 = af[0:NP]
    a2 = af[NP:2 * NP]
    lanes2 = lax.broadcasted_iota(jnp.int32, (NP, 128), 1)
    cnt = jnp.sum(jnp.where(lanes2 >= 72, a2, 0.0), axis=1, keepdims=True)
    inv = 1.0 / jnp.maximum(cnt, 1.0)
    rowmask = (lax.broadcasted_iota(jnp.int32, (NP, 1), 0) < 200).astype(f32)

    x = x_ref[...]
    bf = jnp.bfloat16
    a1b, a2b, xb = a1.astype(bf), a2.astype(bf), x.astype(bf)
    mean1 = (dot(a1b, xb[0:128], (((1,), (0,)), ((), ())))
             + dot(a2b, xb[128:NP], (((1,), (0,)), ((), ())))) * inv
    h = dot(mean1.astype(bf), wl1_ref[...], (((1,), (1,)), ((), ()))) \
        + bl1_ref[...] \
        + dot(xb, wr1_ref[...], (((1,), (1,)), ((), ())))
    h = jnp.maximum(h, 0.0) * rowmask
    mean2 = (dot(a1, h[0:128], (((1,), (0,)), ((), ())))
             + dot(a2, h[128:NP], (((1,), (0,)), ((), ())))) * inv
    out = dot(mean2, wl2_ref[...], (((1,), (1,)), ((), ()))) + bl2_ref[...] \
        + dot(h, wr2_ref[...], (((1,), (1,)), ((), ())))
    t = dot(w1_ref[...], out, (((1,), (0,)), ((), ()))) + b1_ref[...]
    t = jnp.maximum(t, 0.0)
    t = dot(w2_ref[...], t, (((1,), (0,)), ((), ()))) + b2_ref[...]
    t = jnp.maximum(t, 0.0)
    o_ref[...] = dot(w3_ref[...], t, (((1,), (0,)), ((), ()))) + b3_ref[...]


_dense = pl.pallas_call(
    _tc_body,
    out_shape=jax.ShapeDtypeStruct((10, 64), jnp.float32),
)


def kernel(x, edge_index, edge_attr, W_l1, b_l1, W_r1, W_l2, b_l2, W_r2,
           W1, b1, W2, b2, W3, b3):
    ei = edge_index.astype(jnp.int32)
    ea = edge_attr.astype(jnp.float32)

    a_parts = _get_build_adj()(ei[0], ei[1], ea).reshape(NC * 2 * NP, 128)

    x_pad = jnp.pad(x, ((0, NP - x.shape[0]), (0, 0)))
    w1_pad = jnp.pad(W1, ((0, 0), (0, NP - W1.shape[1])))
    out = _dense(a_parts, x_pad, W_l1.astype(jnp.bfloat16),
                 b_l1.reshape(1, -1), W_r1.astype(jnp.bfloat16),
                 W_l2, b_l2.reshape(1, -1), W_r2,
                 w1_pad, b1.reshape(-1, 1), W2, b2.reshape(-1, 1),
                 W3, b3.reshape(-1, 1))
    return out.T

# --- scband reference (transcript-rebuilt; emitter-appended) ---
"""Pipeline reference for scband-geo-sageconv-26645977104607 (READ-ONLY COPY).

The authoritative reference and input builder live on the scoring server;
editing this copy changes nothing except your own understanding.
"""

import jax, jax.numpy as jnp
import numpy as np

N_NODES = 200
N_EDGES = 100000


def _sage_conv(x, src, dst, edge_weight, W_l, b_l, W_r, num_nodes):
    # PyG SAGEConv (aggr='mean', normalize=False):
    # out = lin_l(mean_j(x_j * w_j)) + lin_r(x)
    msg = x[src] * edge_weight[:, None]
    agg = jax.ops.segment_sum(msg, dst, num_segments=num_nodes)
    cnt = jax.ops.segment_sum(jnp.ones_like(edge_weight), dst, num_segments=num_nodes)
    cnt = jnp.clip(cnt, 1.0, None)
    mean = agg / cnt[:, None]
    return mean @ W_l.T + b_l + x @ W_r.T


def setup_inputs(seed: int = 0) -> dict:
    key = jax.random.key(seed)
    ks = jax.random.split(key, 16)
    nfeat, nhid, nclass = 512, 256, 64
    x = jax.random.normal(ks[0], (N_NODES, nfeat), dtype=jnp.float32)
    edge_index = jax.random.randint(ks[1], (2, N_EDGES), 0, N_NODES, dtype=jnp.int64)
    edge_attr = jax.random.uniform(ks[2], (N_EDGES,), dtype=jnp.float32)

    def lin(k, out_d, in_d):
        s = 1.0 / np.sqrt(in_d)
        return jax.random.uniform(k, (out_d, in_d), dtype=jnp.float32, minval=-s, maxval=s)

    W_l1 = lin(ks[3], nhid, nfeat)
    b_l1 = jnp.zeros((nhid,), dtype=jnp.float32)
    W_r1 = lin(ks[4], nhid, nfeat)
    W_l2 = lin(ks[5], nclass, nhid)
    b_l2 = jnp.zeros((nclass,), dtype=jnp.float32)
    W_r2 = lin(ks[6], nclass, nhid)
    W1 = lin(ks[7], 100, 200)
    b1 = jax.random.uniform(ks[8], (100,), dtype=jnp.float32, minval=-0.07, maxval=0.07)
    W2 = lin(ks[9], 50, 100)
    b2 = jax.random.uniform(ks[10], (50,), dtype=jnp.float32, minval=-0.1, maxval=0.1)
    W3 = lin(ks[11], 10, 50)
    b3 = jax.random.uniform(ks[12], (10,), dtype=jnp.float32, minval=-0.14, maxval=0.14)
    return {"x": x, "edge_index": edge_index, "edge_attr": edge_attr,
            "W_l1": W_l1, "b_l1": b_l1, "W_r1": W_r1,
            "W_l2": W_l2, "b_l2": b_l2, "W_r2": W_r2,
            "W1": W1, "b1": b1, "W2": W2, "b2": b2, "W3": W3, "b3": b3}


def reference(x, edge_index, edge_attr, W_l1, b_l1, W_r1, W_l2, b_l2, W_r2, W1, b1, W2, b2, W3, b3):
    # eval mode: all dropout layers are identity
    src = edge_index[0]
    dst = edge_index[1]
    h = _sage_conv(x, src, dst, edge_attr, W_l1, b_l1, W_r1, N_NODES)
    h = jax.nn.relu(h)
    out = _sage_conv(h, src, dst, edge_attr, W_l2, b_l2, W_r2, N_NODES)  # [N, nclass]
    z = out.T  # [nclass, N] = [64, 200]
    z = jax.nn.relu(z @ W1.T + b1)
    z = jax.nn.relu(z @ W2.T + b2)
    z = z @ W3.T + b3  # [64, 10]
    return z

if __name__ == "__main__":
    import jax
    _d = setup_inputs()
    print(jax.jit(kernel)(*tuple(_d.values())))

</pallas_src>

<mosaic_0001>
#map = affine_map<(d0, d1) -> (0)>
module attributes {stable_mosaic.version = 14 : i64} {
  func.func @_sc_body(%arg0: i32, %arg1: i32, %arg2: memref<100000xi32, #tpu.memory_space<hbm>>, %arg3: memref<100000xi32, #tpu.memory_space<hbm>>, %arg4: memref<100000xf32, #tpu.memory_space<hbm>>, %arg5: memref<131072xf32, #tpu.memory_space<hbm>>, %arg6: memref<3200xi32, #tpu.memory_space<vmem>>, %arg7: memref<3200xi32, #tpu.memory_space<vmem>>, %arg8: memref<3200xf32, #tpu.memory_space<vmem>>, %arg9: memref<3200xf32, #tpu.memory_space<vmem>>, %arg10: memref<3200xi32, #tpu.memory_space<vmem>>, %arg11: memref<3200xi32, #tpu.memory_space<vmem>>, %arg12: memref<4096xf32, #tpu.memory_space<vmem>>, %arg13: memref<!tpu.dma_semaphore, #tpu.memory_space<semaphore_mem>>, %arg14: memref<!tpu.dma_semaphore, #tpu.memory_space<semaphore_mem>>, %arg15: memref<65536xf32, #tpu.memory_space<vmem_shared>>) attributes {dimension_semantics = [#tpu.dimension_semantics<core_parallel>, #tpu.dimension_semantics<subcore_parallel>], iteration_bounds = array<i64: 2, 16>, scalar_prefetch = 0 : i64, scratch_operands = 10 : i64, tpu.core_type = #tpu.core_type<sc_vector_subcore>, window_params = [{transform_indices = #map}, {transform_indices = #map}, {transform_indices = #map}, {transform_indices = #map}]} {
    %mul3A = arith.constant 16 : i32
    %mul3A_0 = arith.muli %arg0, %mul3A : i32
    %add3A = arith.addi %mul3A_0, %arg1 : i32
    %mul3A_1 = arith.constant 3200 : i32
    %mul3A_2 = arith.muli %add3A, %mul3A_1 : i32
    %min3A = arith.constant 96800 : i32
    %min3A_3 = arith.minsi %mul3A_2, %min3A : i32
    %dma_start3A = tpu.memref_slice %arg2[%min3A_3] : memref<100000xi32, #tpu.memory_space<hbm>> -> memref<3200xi32, #tpu.memory_space<hbm>>
    %dma_start3A_4 = tpu.memref_slice %arg2[%min3A_3] : memref<100000xi32, #tpu.memory_space<hbm>> -> memref<3200xi32, #tpu.memory_space<hbm>>
    tpu.enqueue_dma source(%dma_start3A_4 : memref<3200xi32, #tpu.memory_space<hbm>>) target(%arg6 : memref<3200xi32, #tpu.memory_space<vmem>>) target_semaphore(%arg13 : memref<!tpu.dma_semaphore, #tpu.memory_space<semaphore_mem>>)
    %dma_start3A_5 = tpu.memref_slice %arg3[%min3A_3] : memref<100000xi32, #tpu.memory_space<hbm>> -> memref<3200xi32, #tpu.memory_space<hbm>>
    %dma_start3A_6 = tpu.memref_slice %arg3[%min3A_3] : memref<100000xi32, #tpu.memory_space<hbm>> -> memref<3200xi32, #tpu.memory_space<hbm>>
    tpu.enqueue_dma source(%dma_start3A_6 : memref<3200xi32, #tpu.memory_space<hbm>>) target(%arg7 : memref<3200xi32, #tpu.memory_space<vmem>>) target_semaphore(%arg13 : memref<!tpu.dma_semaphore, #tpu.memory_space<semaphore_mem>>)
    %dma_start3A_7 = tpu.memref_slice %arg4[%min3A_3] : memref<100000xf32, #tpu.memory_space<hbm>> -> memref<3200xf32, #tpu.memory_space<hbm>>
    %dma_start3A_8 = tpu.memref_slice %arg4[%min3A_3] : memref<100000xf32, #tpu.memory_space<hbm>> -> memref<3200xf32, #tpu.memory_space<hbm>>
    tpu.enqueue_dma source(%dma_start3A_8 : memref<3200xf32, #tpu.memory_space<hbm>>) target(%arg8 : memref<3200xf32, #tpu.memory_space<vmem>>) target_semaphore(%arg13 : memref<!tpu.dma_semaphore, #tpu.memory_space<semaphore_mem>>)
    %scan3A = arith.constant 0 : i32
    %scan3A_9 = arith.constant 0 : i32
    %scan3A_10 = arith.constant 256 : i32
    %scan3A_11 = arith.addi %scan3A_9, %scan3A_10 : i32
    %scan3A_12 = arith.constant 1 : i32
    scf.for %scan3A_43 = %scan3A_9 to %scan3A_11 step %scan3A_12  : i32 {
      %broadcast_in_dim3A = arith.constant 0.000000e+00 : f32
      %broadcast_in_dim3A_44 = vector.broadcast %broadcast_in_dim3A : f32 to vector<16xf32>
      %mul3A_45 = arith.constant 16 : i32
      %mul3A_46 = arith.muli %scan3A_43, %mul3A_45 : i32
      %swap3A = arith.index_cast %mul3A_46 : i32 to index
      %swap3A_47 = tpu.vector_load %arg12[%swap3A] {strides = array<i32>} : memref<4096xf32, #tpu.memory_space<vmem>>, vector<16xf32>,
      %swap3A_48 = vector.shape_cast %swap3A_47 : vector<16xf32> to vector<16xf32>
      %swap3A_49 = vector.shape_cast %broadcast_in_dim3A_44 : vector<16xf32> to vector<16xf32>
      tpu.vector_store %arg12[%swap3A], %swap3A_49 {strides = array<i32>} : memref<4096xf32, #tpu.memory_space<vmem>>, vector<16xf32>,
    }
    %scan3A_13 = arith.constant 256 : i32
    %mul3A_14 = arith.constant 4096 : i32
    %mul3A_15 = arith.muli %arg1, %mul3A_14 : i32
    "tpu.region"() ({
      %run_scoped3A = tpu.sem_alloc : memref<!tpu.dma_semaphore, #tpu.memory_space<semaphore_mem>>
      %dma_start3A_43 = tpu.memref_slice %arg15[%mul3A_15] : memref<65536xf32, #tpu.memory_space<vmem_shared>> -> memref<4096xf32, #tpu.memory_space<vmem_shared>>
      %dma_start3A_44 = tpu.memref_slice %arg15[%mul3A_15] : memref<65536xf32, #tpu.memory_space<vmem_shared>> -> memref<4096xf32, #tpu.memory_space<vmem_shared>>
      tpu.enqueue_dma source(%arg12 : memref<4096xf32, #tpu.memory_space<vmem>>) target(%dma_start3A_44 : memref<4096xf32, #tpu.memory_space<vmem_shared>>) target_semaphore(%run_scoped3A : memref<!tpu.dma_semaphore, #tpu.memory_space<semaphore_mem>>)
      %dma_wait3A_45 = tpu.memref_slice %arg15[%mul3A_15] : memref<65536xf32, #tpu.memory_space<vmem_shared>> -> memref<4096xf32, #tpu.memory_space<vmem_shared>>
      %dma_wait3A_46 = tpu.memref_slice %arg15[%mul3A_15] : memref<65536xf32, #tpu.memory_space<vmem_shared>> -> memref<4096xf32, #tpu.memory_space<vmem_shared>>
      tpu.wait_dma2 semaphore(%run_scoped3A : memref<!tpu.dma_semaphore, #tpu.memory_space<semaphore_mem>>) src(%arg12 : memref<4096xf32, #tpu.memory_space<vmem>>) dst(%dma_wait3A_46 : memref<4096xf32, #tpu.memory_space<vmem_shared>>)
      tpu.yield
    }) : () -> ()
    %dma_wait3A = tpu.memref_slice %arg2[%min3A_3] : memref<100000xi32, #tpu.memory_space<hbm>> -> memref<3200xi32, #tpu.memory_space<hbm>>
    %dma_wait3A_16 = tpu.memref_slice %arg2[%min3A_3] : memref<100000xi32, #tpu.memory_space<hbm>> -> memref<3200xi32, #tpu.memory_space<hbm>>
    tpu.wait_dma2 semaphore(%arg13 : memref<!tpu.dma_semaphore, #tpu.memory_space<semaphore_mem>>) src(%dma_wait3A_16 : memref<3200xi32, #tpu.memory_space<hbm>>) dst(%arg6 : memref<3200xi32, #tpu.memory_space<vmem>>)
    %dma_wait3A_17 = tpu.memref_slice %arg3[%min3A_3] : memref<100000xi32, #tpu.memory_space<hbm>> -> memref<3200xi32, #tpu.memory_space<hbm>>
    %dma_wait3A_18 = tpu.memref_slice %arg3[%min3A_3] : memref<100000xi32, #tpu.memory_space<hbm>> -> memref<3200xi32, #tpu.memory_space<hbm>>
    tpu.wait_dma2 semaphore(%arg13 : memref<!tpu.dma_semaphore, #tpu.memory_space<semaphore_mem>>) src(%dma_wait3A_18 : memref<3200xi32, #tpu.memory_space<hbm>>) dst(%arg7 : memref<3200xi32, #tpu.memory_space<vmem>>)
    %dma_wait3A_19 = tpu.memref_slice %arg4[%min3A_3] : memref<100000xf32, #tpu.memory_space<hbm>> -> memref<3200xf32, #tpu.memory_space<hbm>>
    %dma_wait3A_20 = tpu.memref_slice %arg4[%min3A_3] : memref<100000xf32, #tpu.memory_space<hbm>> -> memref<3200xf32, #tpu.memory_space<hbm>>
    tpu.wait_dma2 semaphore(%arg13 : memref<!tpu.dma_semaphore, #tpu.memory_space<semaphore_mem>>) src(%dma_wait3A_20 : memref<3200xf32, #tpu.memory_space<hbm>>) dst(%arg8 : memref<3200xf32, #tpu.memory_space<vmem>>)
    %scan3A_21 = arith.constant 0 : i32
    %scan3A_22 = arith.constant 0 : i32
    %scan3A_23 = arith.constant 200 : i32
    %scan3A_24 = arith.addi %scan3A_22, %scan3A_23 : i32
    %scan3A_25 = arith.constant 1 : i32
    scf.for %scan3A_43 = %scan3A_22 to %scan3A_24 step %scan3A_25  : i32 {
      %iota3A = tpu.iota {dimensions = array<i32: 0>} : vector<16xi32>
      %mul3A_44 = arith.constant 16 : i32
      %mul3A_45 = arith.muli %scan3A_43, %mul3A_44 : i32
      %add3A_46 = arith.addi %min3A_3, %mul3A_45 : i32
      %add3A_47 = vector.broadcast %add3A_46 : i32 to vector<16xi32>
      %add3A_48 = arith.addi %add3A_47, %iota3A : vector<16xi32>
      %ge3A = vector.broadcast %mul3A_2 : i32 to vector<16xi32>
      %ge3A_49 = arith.cmpi sge, %add3A_48, %ge3A : vector<16xi32>
      %get3A = arith.index_cast %mul3A_45 : i32 to index
      %get3A_50 = tpu.vector_load %arg6[%get3A] {strides = array<i32>} : memref<3200xi32, #tpu.memory_space<vmem>>, vector<16xi32>,
      %get3A_51 = vector.shape_cast %get3A_50 : vector<16xi32> to vector<16xi32>
      %jit3A = arith.constant 0 : i32
      %broadcast_in_dim3A = vector.broadcast %jit3A : i32 to vector<16xi32>
      %select_n3A = arith.select %ge3A_49, %get3A_51, %broadcast_in_dim3A : vector<16xi1>, vector<16xi32>
      %get3A_52 = arith.index_cast %mul3A_45 : i32 to index
      %get3A_53 = tpu.vector_load %arg7[%get3A_52] {strides = array<i32>} : memref<3200xi32, #tpu.memory_space<vmem>>, vector<16xi32>,
      %get3A_54 = vector.shape_cast %get3A_53 : vector<16xi32> to vector<16xi32>
      %jit3A_55 = arith.constant 0 : i32
      %broadcast_in_dim3A_56 = vector.broadcast %jit3A_55 : i32 to vector<16xi32>
      %select_n3A_57 = arith.select %ge3A_49, %get3A_54, %broadcast_in_dim3A_56 : vector<16xi1>, vector<16xi32>
      %get3A_58 = arith.index_cast %mul3A_45 : i32 to index
      %get3A_59 = tpu.vector_load %arg8[%get3A_58] {strides = array<i32>} : memref<3200xf32, #tpu.memory_space<vmem>>, vector<16xf32>,
      %get3A_60 = vector.shape_cast %get3A_59 : vector<16xf32> to vector<16xf32>
      %jit3A_61 = arith.constant 0.000000e+00 : f32
      %broadcast_in_dim3A_62 = vector.broadcast %jit3A_61 : f32 to vector<16xf32>
      %select_n3A_63 = arith.select %ge3A_49, %get3A_60, %broadcast_in_dim3A_62 : vector<16xi1>, vector<16xf32>
      %swap3A = arith.index_cast %mul3A_45 : i32 to index
      %swap3A_64 = tpu.vector_load %arg8[%swap3A] {strides = array<i32>} : memref<3200xf32, #tpu.memory_space<vmem>>, vector<16xf32>,
      %swap3A_65 = vector.shape_cast %swap3A_64 : vector<16xf32> to vector<16xf32>
      %swap3A_66 = vector.shape_cast %select_n3A_63 : vector<16xf32> to vector<16xf32>
      tpu.vector_store %arg8[%swap3A], %swap3A_66 {strides = array<i32>} : memref<3200xf32, #tpu.memory_space<vmem>>, vector<16xf32>,
      %shift_right_arithmetic3A = arith.constant 7 : i32
      %shift_right_arithmetic3A_67 = vector.broadcast %shift_right_arithmetic3A : i32 to vector<16xi32>
      %shift_right_arithmetic3A_68 = arith.shrsi %select_n3A, %shift_right_arithmetic3A_67 : vector<16xi32>
      %mul3A_69 = arith.constant 32768 : i32
      %mul3A_70 = vector.broadcast %mul3A_69 : i32 to vector<16xi32>
      %mul3A_71 = arith.muli %shift_right_arithmetic3A_68, %mul3A_70 : vector<16xi32>
      %mul3A_72 = arith.constant 128 : i32
      %mul3A_73 = vector.broadcast %mul3A_72 : i32 to vector<16xi32>
      %mul3A_74 = arith.muli %select_n3A_57, %mul3A_73 : vector<16xi32>
      %add3A_75 = arith.addi %mul3A_71, %mul3A_74 : vector<16xi32>
      %and3A = arith.constant 127 : i32
      %and3A_76 = vector.broadcast %and3A : i32 to vector<16xi32>
      %and3A_77 = arith.andi %select_n3A, %and3A_76 : vector<16xi32>
      %add3A_78 = arith.addi %add3A_75, %and3A_77 : vector<16xi32>
      %swap3A_79 = arith.index_cast %mul3A_45 : i32 to index
      %swap3A_80 = tpu.vector_load %arg10[%swap3A_79] {strides = array<i32>} : memref<3200xi32, #tpu.memory_space<vmem>>, vector<16xi32>,
      %swap3A_81 = vector.shape_cast %swap3A_80 : vector<16xi32> to vector<16xi32>
      %swap3A_82 = vector.shape_cast %add3A_78 : vector<16xi32> to vector<16xi32>
      tpu.vector_store %arg10[%swap3A_79], %swap3A_82 {strides = array<i32>} : memref<3200xi32, #tpu.memory_space<vmem>>, vector<16xi32>,
      %mul3A_83 = arith.constant 128 : i32
      %mul3A_84 = vector.broadcast %mul3A_83 : i32 to vector<16xi32>
      %mul3A_85 = arith.muli %select_n3A_57, %mul3A_84 : vector<16xi32>
      %add3A_86 = arith.constant 32768 : i32
      %add3A_87 = vector.broadcast %add3A_86 : i32 to vector<16xi32>
      %add3A_88 = arith.addi %add3A_87, %mul3A_85 : vector<16xi32>
      %add3A_89 = arith.constant 72 : i32
      %add3A_90 = vector.broadcast %add3A_89 : i32 to vector<16xi32>
      %add3A_91 = arith.addi %add3A_88, %add3A_90 : vector<16xi32>
      %add3A_92 = arith.addi %add3A_91, %iota3A : vector<16xi32>
      %swap3A_93 = arith.index_cast %mul3A_45 : i32 to index
      %swap3A_94 = tpu.vector_load %arg11[%swap3A_93] {strides = array<i32>} : memref<3200xi32, #tpu.memory_space<vmem>>, vector<16xi32>,
      %swap3A_95 = vector.shape_cast %swap3A_94 : vector<16xi32> to vector<16xi32>
      %swap3A_96 = vector.shape_cast %add3A_92 : vector<16xi32> to vector<16xi32>
      tpu.vector_store %arg11[%swap3A_93], %swap3A_96 {strides = array<i32>} : memref<3200xi32, #tpu.memory_space<vmem>>, vector<16xi32>,
      %jit3A_97 = arith.constant 1.000000e+00 : f32
      %jit3A_98 = arith.constant 0.000000e+00 : f32
      %broadcast_in_dim3A_99 = vector.broadcast %jit3A_97 : f32 to vector<16xf32>
      %broadcast_in_dim3A_100 = vector.broadcast %jit3A_98 : f32 to vector<16xf32>
      %select_n3A_101 = arith.select %ge3A_49, %broadcast_in_dim3A_99, %broadcast_in_dim3A_100 : vector<16xi1>, vector<16xf32>
      %swap3A_102 = arith.index_cast %mul3A_45 : i32 to index
      %swap3A_103 = tpu.vector_load %arg9[%swap3A_102] {strides = array<i32>} : memref<3200xf32, #tpu.memory_space<vmem>>, vector<16xf32>,
      %swap3A_104 = vector.shape_cast %swap3A_103 : vector<16xf32> to vector<16xf32>
      %swap3A_105 = vector.shape_cast %select_n3A_101 : vector<16xf32> to vector<16xf32>
      tpu.vector_store %arg9[%swap3A_102], %swap3A_105 {strides = array<i32>} : memref<3200xf32, #tpu.memory_space<vmem>>, vector<16xf32>,
    }
    %scan3A_26 = arith.constant 200 : i32
    %barrier3A = arith.constant 0 : index
    tpu.barrier barrier_id(%barrier3A)
    %dma_start3A_27 = arith.constant 0 : i32
    %dma_start3A_28 = tpu.memref_slice %arg15[%dma_start3A_27] : memref<65536xf32, #tpu.memory_space<vmem_shared>> -> memref<65536xf32, #tpu.memory_space<vmem_shared>>
    tpu.enqueue_indirect_dma source(%arg8 : memref<3200xf32, #tpu.memory_space<vmem>>) target(%dma_start3A_28 : memref<65536xf32, #tpu.memory_space<vmem_shared>>) offsets(%arg10 : memref<3200xi32, #tpu.memory_space<vmem>>) semaphore(%arg13 : memref<!tpu.dma_semaphore, #tpu.memory_space<semaphore_mem>>) {add = true}
    %dma_start3A_29 = arith.constant 0 : i32
    %dma_start3A_30 = tpu.memref_slice %arg15[%dma_start3A_29] : memref<65536xf32, #tpu.memory_space<vmem_shared>> -> memref<65536xf32, #tpu.memory_space<vmem_shared>>
    tpu.enqueue_indirect_dma source(%arg9 : memref<3200xf32, #tpu.memory_space<vmem>>) target(%dma_start3A_30 : memref<65536xf32, #tpu.memory_space<vmem_shared>>) offsets(%arg11 : memref<3200xi32, #tpu.memory_space<vmem>>) semaphore(%arg14 : memref<!tpu.dma_semaphore, #tpu.memory_space<semaphore_mem>>) {add = true}
    %dma_wait3A_31 = arith.constant 0 : i32
    %dma_wait3A_32 = tpu.memref_slice %arg15[%dma_wait3A_31] : memref<65536xf32, #tpu.memory_space<vmem_shared>> -> memref<65536xf32, #tpu.memory_space<vmem_shared>>
    tpu.wait_indirect_dma semaphore(%arg13 : memref<!tpu.dma_semaphore, #tpu.memory_space<semaphore_mem>>) src(%arg8 : memref<3200xf32, #tpu.memory_space<vmem>>) dst(%dma_wait3A_32 : memref<65536xf32, #tpu.memory_space<vmem_shared>>)
    %dma_wait3A_33 = arith.constant 0 : i32
    %dma_wait3A_34 = tpu.memref_slice %arg15[%dma_wait3A_33] : memref<65536xf32, #tpu.memory_space<vmem_shared>> -> memref<65536xf32, #tpu.memory_space<vmem_shared>>
    tpu.wait_indirect_dma semaphore(%arg14 : memref<!tpu.dma_semaphore, #tpu.memory_space<semaphore_mem>>) src(%arg9 : memref<3200xf32, #tpu.memory_space<vmem>>) dst(%dma_wait3A_34 : memref<65536xf32, #tpu.memory_space<vmem_shared>>)
    %barrier3A_35 = arith.constant 0 : index
    tpu.barrier barrier_id(%barrier3A_35)
    %mul3A_36 = arith.constant 4096 : i32
    %mul3A_37 = arith.muli %arg1, %mul3A_36 : i32
    "tpu.region"() ({
      %run_scoped3A = tpu.sem_alloc : memref<!tpu.dma_semaphore, #tpu.memory_space<semaphore_mem>>
      %dma_start3A_43 = tpu.memref_slice %arg15[%mul3A_37] : memref<65536xf32, #tpu.memory_space<vmem_shared>> -> memref<4096xf32, #tpu.memory_space<vmem_shared>>
      %dma_start3A_44 = tpu.memref_slice %arg15[%mul3A_37] : memref<65536xf32, #tpu.memory_space<vmem_shared>> -> memref<4096xf32, #tpu.memory_space<vmem_shared>>
      tpu.enqueue_dma source(%dma_start3A_44 : memref<4096xf32, #tpu.memory_space<vmem_shared>>) target(%arg12 : memref<4096xf32, #tpu.memory_space<vmem>>) target_semaphore(%run_scoped3A : memref<!tpu.dma_semaphore, #tpu.memory_space<semaphore_mem>>)
      %dma_wait3A_45 = tpu.memref_slice %arg15[%mul3A_37] : memref<65536xf32, #tpu.memory_space<vmem_shared>> -> memref<4096xf32, #tpu.memory_space<vmem_shared>>
      %dma_wait3A_46 = tpu.memref_slice %arg15[%mul3A_37] : memref<65536xf32, #tpu.memory_space<vmem_shared>> -> memref<4096xf32, #tpu.memory_space<vmem_shared>>
      tpu.wait_dma2 semaphore(%run_scoped3A : memref<!tpu.dma_semaphore, #tpu.memory_space<semaphore_mem>>) src(%dma_wait3A_46 : memref<4096xf32, #tpu.memory_space<vmem_shared>>) dst(%arg12 : memref<4096xf32, #tpu.memory_space<vmem>>)
      tpu.yield
    }) : () -> ()
    %mul3A_38 = arith.constant 65536 : i32
    %mul3A_39 = arith.muli %arg0, %mul3A_38 : i32
    %mul3A_40 = arith.constant 4096 : i32
    %mul3A_41 = arith.muli %arg1, %mul3A_40 : i32
    %add3A_42 = arith.addi %mul3A_39, %mul3A_41 : i32
    "tpu.region"() ({
      %run_scoped3A = tpu.sem_alloc : memref<!tpu.dma_semaphore, #tpu.memory_space<semaphore_mem>>
      %dma_start3A_43 = tpu.memref_slice %arg5[%add3A_42] : memref<131072xf32, #tpu.memory_space<hbm>> -> memref<4096xf32, #tpu.memory_space<hbm>>
      %dma_start3A_44 = tpu.memref_slice %arg5[%add3A_42] : memref<131072xf32, #tpu.memory_space<hbm>> -> memref<4096xf32, #tpu.memory_space<hbm>>
      tpu.enqueue_dma source(%arg12 : memref<4096xf32, #tpu.memory_space<vmem>>) target(%dma_start3A_44 : memref<4096xf32, #tpu.memory_space<hbm>>) target_semaphore(%run_scoped3A : memref<!tpu.dma_semaphore, #tpu.memory_space<semaphore_mem>>)
      %dma_wait3A_45 = tpu.memref_slice %arg5[%add3A_42] : memref<131072xf32, #tpu.memory_space<hbm>> -> memref<4096xf32, #tpu.memory_space<hbm>>
      %dma_wait3A_46 = tpu.memref_slice %arg5[%add3A_42] : memref<131072xf32, #tpu.memory_space<hbm>> -> memref<4096xf32, #tpu.memory_space<hbm>>
      tpu.wait_dma2 semaphore(%run_scoped3A : memref<!tpu.dma_semaphore, #tpu.memory_space<semaphore_mem>>) src(%arg12 : memref<4096xf32, #tpu.memory_space<vmem>>) dst(%dma_wait3A_46 : memref<4096xf32, #tpu.memory_space<hbm>>)
      tpu.yield
    }) : () -> ()
    return
  }
}

module attributes {stable_mosaic.version = 14 : i64} {
  func.func @_tc_body(%arg0: memref<1024x128xf32, #tpu.memory_space<vmem>>, %arg1: memref<256x512xf32, #tpu.memory_space<vmem>>, %arg2: memref<256x512xbf16, #tpu.memory_space<vmem>>, %arg3: memref<1x256xf32, #tpu.memory_space<vmem>>, %arg4: memref<256x512xbf16, #tpu.memory_space<vmem>>, %arg5: memref<64x256xf32, #tpu.memory_space<vmem>>, %arg6: memref<1x64xf32, #tpu.memory_space<vmem>>, %arg7: memref<64x256xf32, #tpu.memory_space<vmem>>, %arg8: memref<100x256xf32, #tpu.memory_space<vmem>>, %arg9: memref<100x1xf32, #tpu.memory_space<vmem>>, %arg10: memref<50x100xf32, #tpu.memory_space<vmem>>, %arg11: memref<50x1xf32, #tpu.memory_space<vmem>>, %arg12: memref<10x50xf32, #tpu.memory_space<vmem>>, %arg13: memref<10x1xf32, #tpu.memory_space<vmem>>, %arg14: memref<10x64xf32, #tpu.memory_space<vmem>>) attributes {dimension_semantics = [], scalar_prefetch = 0 : i64, scratch_operands = 0 : i64, tpu.core_type = #tpu.core_type<tc>} {
    %get3A = arith.constant 0 : index
    %get3A_0 = arith.constant 0 : index
    %get3A_1 = vector.load %arg0[%get3A, %get3A_0] : memref<1024x128xf32, #tpu.memory_space<vmem>>, vector<512x128xf32>
    %get3A_2 = arith.constant 512 : index
    %get3A_3 = arith.constant 0 : index
    %get3A_4 = vector.load %arg0[%get3A_2, %get3A_3] : memref<1024x128xf32, #tpu.memory_space<vmem>>, vector<512x128xf32>
    %add3A = arith.addf %get3A_1, %get3A_4 : vector<512x128xf32>
    %slice3A = vector.extract_strided_slice %add3A {offsets = [0, 0], sizes = [256, 128], strides = [1, 1]} : vector<512x128xf32> to vector<256x128xf32>
    %slice3A_5 = vector.extract_strided_slice %add3A {offsets = [256, 0], sizes = [256, 128], strides = [1, 1]} : vector<512x128xf32> to vector<256x128xf32>
    %iota3A = tpu.iota {dimensions = array<i32: 1>} : vector<256x128xi32>
    %ge3A = arith.constant 72 : i32
    %ge3A_6 = vector.broadcast %ge3A : i32 to vector<256x128xi32>
    %ge3A_7 = arith.cmpi sge, %iota3A, %ge3A_6 : vector<256x128xi32>
    %jit3A = arith.constant 0.000000e+00 : f32
    %broadcast_in_dim3A = vector.broadcast %jit3A : f32 to vector<256x128xf32>
    %select_n3A = arith.select %ge3A_7, %slice3A_5, %broadcast_in_dim3A : vector<256x128xi1>, vector<256x128xf32>
    %reduce_sum3A = arith.constant dense<0.000000e+00> : vector<256xf32>
    %reduce_sum3A_8 = vector.multi_reduction <add>, %select_n3A, %reduce_sum3A [1] : vector<256x128xf32> to vector<256xf32>
    %broadcast_in_dim3A_9 = vector.shape_cast %reduce_sum3A_8 : vector<256xf32> to vector<256x1xf32>
    %max3A = arith.constant 1.000000e+00 : f32
    %max3A_10 = vector.broadcast %max3A : f32 to vector<256x1xf32>
    %max3A_11 = arith.maximumf %broadcast_in_dim3A_9, %max3A_10 : vector<256x1xf32>
    %div3A = arith.constant 1.000000e+00 : f32
    %div3A_12 = vector.broadcast %div3A : f32 to vector<256x1xf32>
    %div3A_13 = arith.divf %div3A_12, %max3A_11 : vector<256x1xf32>
    %iota3A_14 = tpu.iota {dimensions = array<i32: 0>} : vector<256x1xi32>
    %lt3A = arith.constant 200 : i32
    %lt3A_15 = vector.broadcast %lt3A : i32 to vector<256x1xi32>
    %lt3A_16 = arith.cmpi slt, %iota3A_14, %lt3A_15 : vector<256x1xi32>
    %convert_element_type3A = arith.extui %lt3A_16 : vector<256x1xi1> to vector<256x1xi32>
    %convert_element_type3A_17 = arith.sitofp %convert_element_type3A : vector<256x1xi32> to vector<256x1xf32>
    %get3A_18 = arith.constant 0 : index
    %get3A_19 = arith.constant 0 : index
    %get3A_20 = vector.load %arg1[%get3A_18, %get3A_19] : memref<256x512xf32, #tpu.memory_space<vmem>>, vector<256x512xf32>
    %convert_element_type3A_21 = arith.truncf %slice3A : vector<256x128xf32> to vector<256x128xbf16>
    %convert_element_type3A_22 = arith.truncf %slice3A_5 : vector<256x128xf32> to vector<256x128xbf16>
    %convert_element_type3A_23 = arith.truncf %get3A_20 : vector<256x512xf32> to vector<256x512xbf16>
    %slice3A_24 = vector.extract_strided_slice %convert_element_type3A_23 {offsets = [0, 0], sizes = [128, 512], strides = [1, 1]} : vector<256x512xbf16> to vector<128x512xbf16>
    %dot_general3A = arith.constant dense<0.000000e+00> : vector<256x512xf32>
    %dot_general3A_25 = tpu.matmul %convert_element_type3A_21, %slice3A_24, %dot_general3A {dimension_numbers = #tpu.dot_dimension_numbers<[1], [0], [0], [1], [0, 0, 1, 1], [], []>, transpose_lhs_hint = false} : vector<256x128xbf16>, vector<128x512xbf16>, vector<256x512xf32> -> vector<256x512xf32>
    %slice3A_26 = vector.extract_strided_slice %convert_element_type3A_23 {offsets = [128, 0], sizes = [128, 512], strides = [1, 1]} : vector<256x512xbf16> to vector<128x512xbf16>
    %dot_general3A_27 = arith.constant dense<0.000000e+00> : vector<256x512xf32>
    %dot_general3A_28 = tpu.matmul %convert_element_type3A_22, %slice3A_26, %dot_general3A_27 {dimension_numbers = #tpu.dot_dimension_numbers<[1], [0], [0], [1], [0, 0, 1, 1], [], []>, transpose_lhs_hint = false} : vector<256x128xbf16>, vector<128x512xbf16>, vector<256x512xf32> -> vector<256x512xf32>
    %add3A_29 = arith.addf %dot_general3A_25, %dot_general3A_28 : vector<256x512xf32>
    %mul3A = vector.broadcast %div3A_13 : vector<256x1xf32> to vector<256x512xf32>
    %mul3A_30 = arith.mulf %add3A_29, %mul3A : vector<256x512xf32>
    %convert_element_type3A_31 = arith.truncf %mul3A_30 : vector<256x512xf32> to vector<256x512xbf16>
    %get3A_32 = arith.constant 0 : index
    %get3A_33 = arith.constant 0 : index
    %get3A_34 = vector.load %arg2[%get3A_32, %get3A_33] : memref<256x512xbf16, #tpu.memory_space<vmem>>, vector<256x512xbf16>
    %dot_general3A_35 = arith.constant dense<0.000000e+00> : vector<256x256xf32>
    %dot_general3A_36 = tpu.matmul %convert_element_type3A_31, %get3A_34, %dot_general3A_35 {dimension_numbers = #tpu.dot_dimension_numbers<[1], [1], [0], [0], [0, 0, 1, 0], [], []>, transpose_lhs_hint = false} : vector<256x512xbf16>, vector<256x512xbf16>, vector<256x256xf32> -> vector<256x256xf32>
    %get3A_37 = arith.constant 0 : index
    %get3A_38 = arith.constant 0 : index
    %get3A_39 = vector.load %arg3[%get3A_37, %get3A_38] : memref<1x256xf32, #tpu.memory_space<vmem>>, vector<1x256xf32>
    %add3A_40 = vector.broadcast %get3A_39 : vector<1x256xf32> to vector<256x256xf32>
    %add3A_41 = arith.addf %dot_general3A_36, %add3A_40 : vector<256x256xf32>
    %get3A_42 = arith.constant 0 : index
    %get3A_43 = arith.constant 0 : index
    %get3A_44 = vector.load %arg4[%get3A_42, %get3A_43] : memref<256x512xbf16, #tpu.memory_space<vmem>>, vector<256x512xbf16>
    %dot_general3A_45 = arith.constant dense<0.000000e+00> : vector<256x256xf32>
    %dot_general3A_46 = tpu.matmul %convert_element_type3A_23, %get3A_44, %dot_general3A_45 {dimension_numbers = #tpu.dot_dimension_numbers<[1], [1], [0], [0], [0, 0, 1, 0], [], []>, transpose_lhs_hint = false} : vector<256x512xbf16>, vector<256x512xbf16>, vector<256x256xf32> -> vector<256x256xf32>
    %add3A_47 = arith.addf %add3A_41, %dot_general3A_46 : vector<256x256xf32>
    %max3A_48 = arith.constant 0.000000e+00 : f32
    %max3A_49 = vector.broadcast %max3A_48 : f32 to vector<256x256xf32>
    %max3A_50 = arith.maximumf %add3A_47, %max3A_49 : vector<256x256xf32>
    %mul3A_51 = vector.broadcast %convert_element_type3A_17 : vector<256x1xf32> to vector<256x256xf32>
    %mul3A_52 = arith.mulf %max3A_50, %mul3A_51 : vector<256x256xf32>
    %slice3A_53 = vector.extract_strided_slice %mul3A_52 {offsets = [0, 0], sizes = [128, 256], strides = [1, 1]} : vector<256x256xf32> to vector<128x256xf32>
    %dot_general3A_54 = arith.constant dense<0.000000e+00> : vector<256x256xf32>
    %dot_general3A_55 = tpu.matmul %slice3A, %slice3A_53, %dot_general3A_54 {dimension_numbers = #tpu.dot_dimension_numbers<[1], [0], [0], [1], [0, 0, 1, 1], [], []>, transpose_lhs_hint = false} : vector<256x128xf32>, vector<128x256xf32>, vector<256x256xf32> -> vector<256x256xf32>
    %slice3A_56 = vector.extract_strided_slice %mul3A_52 {offsets = [128, 0], sizes = [128, 256], strides = [1, 1]} : vector<256x256xf32> to vector<128x256xf32>
    %dot_general3A_57 = arith.constant dense<0.000000e+00> : vector<256x256xf32>
    %dot_general3A_58 = tpu.matmul %slice3A_5, %slice3A_56, %dot_general3A_57 {dimension_numbers = #tpu.dot_dimension_numbers<[1], [0], [0], [1], [0, 0, 1, 1], [], []>, transpose_lhs_hint = false} : vector<256x128xf32>, vector<128x256xf32>, vector<256x256xf32> -> vector<256x256xf32>
    %add3A_59 = arith.addf %dot_general3A_55, %dot_general3A_58 : vector<256x256xf32>
    %mul3A_60 = vector.broadcast %div3A_13 : vector<256x1xf32> to vector<256x256xf32>
    %mul3A_61 = arith.mulf %add3A_59, %mul3A_60 : vector<256x256xf32>
    %get3A_62 = arith.constant 0 : index
    %get3A_63 = arith.constant 0 : index
    %get3A_64 = vector.load %arg5[%get3A_62, %get3A_63] : memref<64x256xf32, #tpu.memory_space<vmem>>, vector<64x256xf32>
    %dot_general3A_65 = arith.constant dense<0.000000e+00> : vector<256x64xf32>
    %dot_general3A_66 = tpu.matmul %mul3A_61, %get3A_64, %dot_general3A_65 {dimension_numbers = #tpu.dot_dimension_numbers<[1], [1], [0], [0], [0, 0, 1, 0], [], []>, transpose_lhs_hint = false} : vector<256x256xf32>, vector<64x256xf32>, vector<256x64xf32> -> vector<256x64xf32>
    %get3A_67 = arith.constant 0 : index
    %get3A_68 = arith.constant 0 : index
    %get3A_69 = vector.load %arg6[%get3A_67, %get3A_68] : memref<1x64xf32, #tpu.memory_space<vmem>>, vector<1x64xf32>
    %add3A_70 = vector.broadcast %get3A_69 : vector<1x64xf32> to vector<256x64xf32>
    %add3A_71 = arith.addf %dot_general3A_66, %add3A_70 : vector<256x64xf32>
    %get3A_72 = arith.constant 0 : index
    %get3A_73 = arith.constant 0 : index
    %get3A_74 = vector.load %arg7[%get3A_72, %get3A_73] : memref<64x256xf32, #tpu.memory_space<vmem>>, vector<64x256xf32>
    %dot_general3A_75 = arith.constant dense<0.000000e+00> : vector<256x64xf32>
    %dot_general3A_76 = tpu.matmul %mul3A_52, %get3A_74, %dot_general3A_75 {dimension_numbers = #tpu.dot_dimension_numbers<[1], [1], [0], [0], [0, 0, 1, 0], [], []>, transpose_lhs_hint = false} : vector<256x256xf32>, vector<64x256xf32>, vector<256x64xf32> -> vector<256x64xf32>
    %add3A_77 = arith.addf %add3A_71, %dot_general3A_76 : vector<256x64xf32>
    %get3A_78 = arith.constant 0 : index
    %get3A_79 = arith.constant 0 : index
    %get3A_80 = vector.load %arg8[%get3A_78, %get3A_79] : memref<100x256xf32, #tpu.memory_space<vmem>>, vector<100x256xf32>
    %dot_general3A_81 = arith.constant dense<0.000000e+00> : vector<100x64xf32>
    %dot_general3A_82 = tpu.matmul %get3A_80, %add3A_77, %dot_general3A_81 {dimension_numbers = #tpu.dot_dimension_numbers<[1], [0], [0], [1], [0, 0, 1, 1], [], []>, transpose_lhs_hint = false} : vector<100x256xf32>, vector<256x64xf32>, vector<100x64xf32> -> vector<100x64xf32>
    %get3A_83 = arith.constant 0 : index
    %get3A_84 = arith.constant 0 : index
    %get3A_85 = vector.load %arg9[%get3A_83, %get3A_84] : memref<100x1xf32, #tpu.memory_space<vmem>>, vector<100x1xf32>
    %add3A_86 = vector.broadcast %get3A_85 : vector<100x1xf32> to vector<100x64xf32>
    %add3A_87 = arith.addf %dot_general3A_82, %add3A_86 : vector<100x64xf32>
    %max3A_88 = arith.constant 0.000000e+00 : f32
    %max3A_89 = vector.broadcast %max3A_88 : f32 to vector<100x64xf32>
    %max3A_90 = arith.maximumf %add3A_87, %max3A_89 : vector<100x64xf32>
    %get3A_91 = arith.constant 0 : index
    %get3A_92 = arith.constant 0 : index
    %get3A_93 = vector.load %arg10[%get3A_91, %get3A_92] : memref<50x100xf32, #tpu.memory_space<vmem>>, vector<50x100xf32>
    %dot_general3A_94 = arith.constant dense<0.000000e+00> : vector<50x64xf32>
    %dot_general3A_95 = tpu.matmul %get3A_93, %max3A_90, %dot_general3A_94 {dimension_numbers = #tpu.dot_dimension_numbers<[1], [0], [0], [1], [0, 0, 1, 1], [], []>, transpose_lhs_hint = false} : vector<50x100xf32>, vector<100x64xf32>, vector<50x64xf32> -> vector<50x64xf32>
    %get3A_96 = arith.constant 0 : index
    %get3A_97 = arith.constant 0 : index
    %get3A_98 = vector.load %arg11[%get3A_96, %get3A_97] : memref<50x1xf32, #tpu.memory_space<vmem>>, vector<50x1xf32>
    %add3A_99 = vector.broadcast %get3A_98 : vector<50x1xf32> to vector<50x64xf32>
    %add3A_100 = arith.addf %dot_general3A_95, %add3A_99 : vector<50x64xf32>
    %max3A_101 = arith.constant 0.000000e+00 : f32
    %max3A_102 = vector.broadcast %max3A_101 : f32 to vector<50x64xf32>
    %max3A_103 = arith.maximumf %add3A_100, %max3A_102 : vector<50x64xf32>
    %get3A_104 = arith.constant 0 : index
    %get3A_105 = arith.constant 0 : index
    %get3A_106 = vector.load %arg12[%get3A_104, %get3A_105] : memref<10x50xf32, #tpu.memory_space<vmem>>, vector<10x50xf32>
    %dot_general3A_107 = arith.constant dense<0.000000e+00> : vector<10x64xf32>
    %dot_general3A_108 = tpu.matmul %get3A_106, %max3A_103, %dot_general3A_107 {dimension_numbers = #tpu.dot_dimension_numbers<[1], [0], [0], [1], [0, 0, 1, 1], [], []>, transpose_lhs_hint = false} : vector<10x50xf32>, vector<50x64xf32>, vector<10x64xf32> -> vector<10x64xf32>
    %get3A_109 = arith.constant 0 : index
    %get3A_110 = arith.constant 0 : index
    %get3A_111 = vector.load %arg13[%get3A_109, %get3A_110] : memref<10x1xf32, #tpu.memory_space<vmem>>, vector<10x1xf32>
    %add3A_112 = vector.broadcast %get3A_111 : vector<10x1xf32> to vector<10x64xf32>
    %add3A_113 = arith.addf %dot_general3A_108, %add3A_112 : vector<10x64xf32>
    %swap3A = arith.constant 0 : index
    %swap3A_114 = arith.constant 0 : index
    %swap3A_115 = vector.load %arg14[%swap3A, %swap3A_114] : memref<10x64xf32, #tpu.memory_space<vmem>>, vector<10x64xf32>
    tpu.vector_store %arg14[%swap3A, %swap3A_114], %add3A_113 {strides = array<i32>} : memref<10x64xf32, #tpu.memory_space<vmem>>, vector<10x64xf32>,
    return
  }
}

</mosaic_0001>

<sc_bundles>
// kernel: kernel.4.cloned.1.call-start
scs
__scs_entry_jumppad:
0x0: {  	(pc) =	sbr.rel $0x88, $3  }
0x1: {  	(tag) =	ssettag $0x0;
	lr =	simm.s32 $0x1  }
0x2: {  	[smem:$0x3F92] =	sst lr;
	_ =	strace $0xD0000000  }
0x3: {  	_ = 	snop  }
0x4: {  	_ = 	snop  }
0x5: {  	_ = 	snop  }
0x6: {  	_ = 	snop  }
0x7: {  	_ = 	snop  }
__scs_overlays_trampoline_lowered:
0x8: {  	[smem:$0x3FA1] =	sst s0  }
0x9: {  	[smem:$0x3FA2] =	sst s1  }
0xa: {  	[smem:$0x3FA3] =	sst s2  }
0xb: {  	[smem:$0x3FA4] =	sst s3  }
0xc: {  	[smem:$0x3FA5] =	sst s4  }
0xd: {  	[smem:$0x3FA6] =	sst s5  }
0xe: {  	[smem:$0x3FA7] =	sst s6  }
0xf: {  	[smem:$0x3FA8] =	sst s7  }
0x10: {  	[smem:$0x3FA9] =	sst s8  }
0x11: {  	[smem:$0x3FAA] =	sst s9;
	s0 =	simm.s32 @!p0 $0x0  }
0x12: {  	s1 =	sld [smem:$0x3F90];
	s0 =	simm.s32 @p0 $0x1  }
0x13: {  	[smem:$0x3FAB] =	sst s0;
	s0 =	simm.s32 @!p1 $0x0  }
0x14: {  	s2 =	sld [smem:$0x3F8F];
	s0 =	simm.s32 @p1 $0x1  }
0x15: {  	[smem:$0x3FAC] =	sst s0;
	s0 =	simm.s32 @!p2 $0x0  }
0x16: {  	s3 =	sld [smem:$0x3FDB];
	s0 =	simm.s32 @p2 $0x1  }
0x17: {  	s4 =	simm.s32 $0x1BF5;
	[smem:$0x3FAE] =	sst s0  }
0x18: {  	s0 =	sld [smem:$0x3F91];
	_ =	swait.ge [sflag:s4], $0x0  }
0x19: {  	s7 =	sld [smem:$0x3F92]  }
0x1a: {  	s8 =	sadd.s32 $0xFFFFE003, lr  }
0x1b: {  	s9 =	sadd.s32 $0xFFFFFEF7, lr;
	s5 =	simm.s32 $0xFFFFFFFF;
	p2 =	slt.u32 s8, $0xFFFFF086  }
0x1c: {  	p1 =	slt.u32 s9, $0xF7A;
	s5 =	simm.s32 @!p2 $0x0  }
0x1d: {  	s5 =	simm.s32 @p1 $0x1;
	p0 =	seq.s32 s7, s2  }
0x1e: {  	s7 =	smul.u32 @!p0 $0xF7A, s2;
	p2 =	seq.s32 @!p0 s5, $0x0  }
0x1f: {  	s9 =	smul.u32 $0xF7A, s1;
	s8 =	simm.s32 @!p0 $0x1BF5;
	p2 =	por !p2, p0  }
0x20: {  	[sflag:s8] =	ssyncset.s32 @!p0 $0xFFFFF086;
	s6 =	sadd.s32 @!p0 s3, s7;
	s7 =	simm.s32 @!p0 $0x108  }
0x21: {  	s3 =	sadd.s32 s3, s9;
	s6 =	sadd.s32 @!p0 $0x88, s6;
	s7 =	simm.s32 @p2 $0x1082  }
0x22: {  	[simem:s7], [sflag:s8] =	dma.local @!p0 [hbm:s6], $0xF7A  }
0x23: {  	s9 =	sor.u32 $0xD0000000, s2;
	s6 =	simm.s32 $0x108;
	_ =	swait.ge @!p0 [sflag:s8], $0x0  }
0x24: {  	s3 =	sadd.s32 $0x88, s3;
	s6 =	simm.s32 @!p1 $0x1082;
	[sflag:s4] =	ssyncset.s32 $0xFFFFF086  }
0x25: {  	[simem:s6], [sflag:s4] =	dma.local [hbm:s3], $0xF7A  }
0x26: {  	[smem:$0x3F92] =	sst s1;
	(tag) =	ssettag s2;
	_ =	strace s9  }
0x27: {  	s1 =	sld [smem:$0x3FA2]  }
0x28: {  	s2 =	sld [smem:$0x3FA3]  }
0x29: {  	s4 =	sld [smem:$0x3FA5]  }
0x2a: {  	p0 =	seq.s32 s5, $0x0;
	s5 =	sld [smem:$0x3FA6]  }
0x2b: {  	s6 =	sld [smem:$0x3FA7]  }
0x2c: {  	s7 =	sld [smem:$0x3FA8]  }
0x2d: {  	s3 =	simm.s32 $0x108;
	s8 =	sld [smem:$0x3FA9]  }
0x2e: {  	s3 =	simm.s32 @!p0 $0x1082;
	s9 =	sld [smem:$0x3FAA]  }
0x2f: {  	lr =	sadd.s32 s0, s3;
	s0 =	sld [smem:$0x3FA1]  }
0x30: {  	s3 =	sld [smem:$0x3FA4]  }
0x31: {  	[smem:$0x3FAD] =	sst s10  }
0x32: {  	s10 =	sld [smem:$0x3FAB];
	_ =	sdelay $0x3  }
0x33: {  	p0 =	seq.s32 s10, $0x1;
	s10 =	sld [smem:$0x3FAD];
	_ =	sdelay $0x3  }
0x34: {  	[smem:$0x3FAD] =	sst s10  }
0x35: {  	s10 =	sld [smem:$0x3FAC];
	_ =	sdelay $0x3  }
0x36: {  	p1 =	seq.s32 s10, $0x1;
	s10 =	sld [smem:$0x3FAD];
	_ =	sdelay $0x3  }
0x37: {  	[smem:$0x3FAD] =	sst s10  }
0x38: {  	s10 =	sld [smem:$0x3FAE]  }
0x39: {  	_ = 	snop;
	(pc) =	sbr.ind lr, $3  }
0x3a: {  	_ = 	snop  }
0x3b: {  	_ = 	snop  }
0x3c: {  	p2 =	seq.s32 s10, $0x1;
	s10 =	sld [smem:$0x3FAD]  }
0x3d: {  	_ =	shalt  }
0x3e: {  	_ =	shalt  }
0x3f: {  	_ =	shalt  }
0x40: {  	_ =	shalt  }
0x41: {  	_ =	shalt  }
0x42: {  	_ =	shalt  }
0x43: {  	_ =	shalt  }
0x44: {  	_ =	shalt  }
0x45: {  	_ =	shalt  }
0x46: {  	_ =	shalt  }
0x47: {  	_ =	shalt  }
0x48: {  	_ =	shalt  }
0x49: {  	_ =	shalt  }
0x4a: {  	_ =	shalt  }
0x4b: {  	_ =	shalt  }
0x4c: {  	_ =	shalt  }
0x4d: {  	_ =	shalt  }
0x4e: {  	_ =	shalt  }
0x4f: {  	_ =	shalt  }
0x50: {  	_ =	shalt  }
0x51: {  	_ =	shalt  }
0x52: {  	_ =	shalt  }
0x53: {  	_ =	shalt  }
0x54: {  	_ =	shalt  }
0x55: {  	_ =	shalt  }
0x56: {  	_ =	shalt  }
0x57: {  	_ =	shalt  }
0x58: {  	_ =	shalt  }
0x59: {  	_ =	shalt  }
0x5a: {  	_ =	shalt  }
0x5b: {  	_ =	shalt  }
0x5c: {  	_ =	shalt  }
0x5d: {  	_ =	shalt  }
0x5e: {  	_ =	shalt  }
0x5f: {  	_ =	shalt  }
0x60: {  	_ =	shalt  }
0x61: {  	_ =	shalt  }
0x62: {  	_ =	shalt  }
0x63: {  	_ =	shalt  }
0x64: {  	_ =	shalt  }
0x65: {  	_ =	shalt  }
0x66: {  	_ =	shalt  }
0x67: {  	_ =	shalt  }
0x68: {  	_ =	shalt  }
0x69: {  	_ =	shalt  }
0x6a: {  	_ =	shalt  }
0x6b: {  	_ =	shalt  }
0x6c: {  	_ =	shalt  }
0x6d: {  	_ =	shalt  }
0x6e: {  	_ =	shalt  }
0x6f: {  	_ =	shalt  }
0x70: {  	_ =	shalt  }
0x71: {  	_ =	shalt  }
0x72: {  	_ =	shalt  }
0x73: {  	_ =	shalt  }
0x74: {  	_ =	shalt  }
0x75: {  	_ =	shalt  }
0x76: {  	_ =	shalt  }
0x77: {  	_ =	shalt  }
0x78: {  	_ =	shalt  }
0x79: {  	_ =	shalt  }
0x7a: {  	_ =	shalt  }
0x7b: {  	_ =	shalt  }
0x7c: {  	_ =	shalt  }
0x7d: {  	_ =	shalt  }
0x7e: {  	_ =	shalt  }
0x7f: {  	_ =	shalt  }
0x80: {  	_ =	shalt  }
0x81: {  	_ =	shalt  }
0x82: {  	_ =	shalt  }
0x83: {  	_ =	shalt  }
0x84: {  	_ =	shalt  }
0x85: {  	_ =	shalt  }
0x86: {  	_ =	shalt  }
0x87: {  	_ =	shalt  }
.Lfunc_end0:
.L_simem_size_0:
called_computation_lowered:
.L_overlay_start_0:
0x88: {  	s2 =	sld [smem:$0x3FD9]  }
0x89: {  	s3 =	sld [smem:$0x3FFE];
	_ =	sdelay $0x1  }
0x8a: {  	s1 =	srdreg.scid  }
0x8b: {  	s0 =	sand.u32 $0x1, s1  }
0x8c: {  	s17 =	sshll.u32 s0, $0xA;
	s2 =	sadd.s32 s3, s2  }
0x8d: {  	s2 =	sadd.s32 s2, s17  }
0x8e: {  	[smem:$0x3FB9] =	sst s2  }
0x8f: {  	_ = 	snop  }
0x90: {  	s2 =	sld [smem:$0x3FC7];
	(tm) =	ssettm $0x1  }
0x91: {  	s18 =	sld [smem:$0x3FFB];
	_ =	sdelay $0x3  }
0x92: {  	_ =	strace s18  }
0x93: {  	s3 =	sld [smem:$0x3FFC];
	_ =	sdelay $0x3  }
0x94: {  	_ =	strace s3  }
0x95: {  	s3 =	sld [smem:$0x3FFD];
	_ =	sdelay $0x3  }
0x96: {  	_ =	strace s3  }
0x97: {  	_ =	strace $0x8FFFFFFF  }
0x98: {  	s19 =	sld [smem:$0x3FDB];
	_ =	sdelay $0x1  }
0x99: {  	s4 =	simm.s32 $_scs_section_size  }
0x9a: {  	s5 =	simm.s32 $_size__tile_overlayer_lowered;
	s6 =	simm.s32 $_tile_overlayer_lowered  }
0x9b: {  	s22 =	simm.s32 $0x1BFF;
	s21 =	sshll.u32 s6, $0x1;
	s3 =	sadd.s32 s4, s19  }
0x9c: {  	s7 =	simm.s32 $0x0;
	s20 =	sshll.u32 s5, $0x1;
	s5 =	sadd.s32 s21, s3  }
0x9d: {  	[timem:s7], [sflag:s22] =	dma.local [hbm:s5], s20  }
0x9e: {  	_ =	swait.ge [sflag:s22], s20  }
0x9f: {  	s4 =	ssub.s32 $0x0, s20;
	[sflag:s22] =	ssyncset.done $0x0  }
0xa0: {  	[sflag:s22] =	ssyncadd.s32 s4;
	_ =	sdelay $0x1  }
0xa1: {  	s23 =	simm.s32 $0x1B8B  }
0xa2: {  	_ =	swait.ge [sflag:s23], $0x1  }
0xa3: {  	[sflag:s23] =	ssyncset.done $0x0  }
0xa4: {  	s25 =	simm.s32 $0x1B8E;
	s24 =	sld [smem:$0x3FFE];
	[sflag:s23] =	ssyncadd.s32 $0xFFFFFFFF  }
0xa5: {  	s26 =	simm.s32 $execute0_lowered;
	[smem:$0x3FD2] =	sst s25  }
0xa6: {  	s5 =	sshll.u32 s26, $0x1;
	_ =	strace $0x80000046;
	[dreg:$0x1] =	wrdreg $0xFFFFFFFF  }
0xa7: {  	s28 =	simm.s32 $_size_execute0_lowered;
	s3 =	sadd.s32 s3, s5;
	[dreg:$0x0] =	wrdreg $0x0  }
0xa8: {  	s5 =	sshll.u32 s28, $0x1;
	[dreg:$0x2] =	wrdreg s3  }
0xa9: {  	[dreg:$0x3] =	wrdreg s5  }
0xaa: {  	[dreg:$0x4] =	wrdreg $0xC0  }
0xab: {  	_ =	task [dreg:s7], $0x5FFFF  }
0xac: {  	[dreg:$0x1] =	wrdreg $0xFFFFFFFF  }
0xad: {  	[dreg:$0x0] =	wrdreg $0x60  }
0xae: {  	[dreg:$0x2] =	wrdreg s24  }
0xaf: {  	[dreg:$0x3] =	wrdreg s2  }
0xb0: {  	[dreg:$0x4] =	wrdreg $0x5B000  }
0xb1: {  	[dreg:$0x5] =	wrdreg $0x9  }
0xb2: {  	_ =	task.clear_ibuf [dreg:s7], $0x6FFFF;
	_ =	strace $0x90000046  }
0xb3: {  	s29 =	simm.s32 $0x9;
	_ =	strace $0x80000048  }
0xb4: {  	_ =	swait.ge [sflag:s29], $0x1  }
0xb5: {  	[sflag:s29] =	ssyncadd.s32 $0xFFFFFFFF  }
0xb6: {  	_ =	strace $0x90000048  }
0xb7: {  	_ =	sfence  }
0xb8: {  	s30 =	sld [smem:$0x0];
	_ =	sdelay $0x2  }
0xb9: {  	s31 =	sshll.u32 s1, $0xD;
	s1 =	sshrl.u32 s1, $0x2  }
0xba: {  	s3 =	sand.u32 $0x4000, s31;
	s1 =	sadd.s32 s1, s30  }
0xbb: {  	s0 =	sor.u32 s3, s0;
	s1 =	sshll.u32 s1, $0x11  }
0xbc: {  	s0 =	sor.u32 s1, s0  }
0xbd: {  	s0 =	sadd.s32 $0x8F2B, s0  }
0xbe: {  	[sflag:s0] =	ssyncadd.remote.s32 $0x1  }
0xbf: {  	_ =	sfence.sel $0xFFFF  }
0xc0: {  	[dreg:$0x0] =	wrdreg $0xFFFFFFFF;
	(pc) =	sbr.abs _section_cstart, $3  }
0xc1: {  	[dreg:$0x1] =	wrdreg $0xFFFFFFFF  }
0xc2: {  	_ =	task.clear_ibuf [dreg:s7], $0x2FFFF;
	_ =	strace $0x9FFFFFFF  }
0xc3: {  	(tm) =	ssettm $0x7FFFFFFF  }
tec
execute0_lowered:
.L_overlay_start_1:
0x0: {  	(tag) =	ssettag $0x1  }
0x1: {  	s4 =	rddreg [dreg:$0x0]  }
0x2: {  	s6 =	rddreg [dreg:$0x1]  }
0x3: {  	s0 =	srdreg.scid;
	s2 =	rddreg [dreg:$0x2];
	s3 =	simm.s32 $0x0  }
0x4: {  	s14 =	simm.s32 $0x3;
	s16 =	simm.s32 $0x3200;
	s17 =	simm.s32 $0x3E80  }
0x5: {  	s18 =	simm.s32 $0x2580;
	s19 =	simm.s32 $0x2;
	s20 =	simm.s32 $0x0  }
0x6: {  	s5 =	sand.u32 $0x1, s0;
	s0 =	stileid.u32;
	[smem:$0x7FF] =	sst s3  }
0x7: {  	s1 =	sshll.u32 s5, $0x4;
	s8 =	sshll.u32 s0, $0xC;
	s13 =	smul.u32 $0xC800, s5  }
0x8: {  	s9 =	sshll.u32 s5, $0x10;
	s11 =	ssub.s32 $0x2, s5;
	s30 =	smul.u32 $0xC80, s0  }
0x9: {  	s7 =	sor.u32 s0, s1;
	s1 =	rddreg [dreg:$0x3];
	_ =	strace $0x80000047  }
0xa: {  	s9 =	sor.u32 s8, s9;
	s12 =	sshrl.u32 s11, $0x1;
	s15 =	smul.u32 $0xC80, s7  }
0xb: {  	s9 =	sshrl.u32 s9, $0x3;
	s11 =	ssub.s32 s11, s12;
	s31 =	sadd.s32 s30, s13  }
0xc: {  	s12 =	simm.s32 $0x1900;
	s13 =	simm.s32 $0x4B00;
	s7 =	smin.u32 s15, $0x17A20  }
0xd: {  	s9 =	sadd.s32 s9, s4;
	v0 =	vmov s15;
	s15 =	simm.s32 $0x1;
	s7 =	sshrl.u32 s7, $0x3  }
0xe: {  	s10 =	sadd.s32 s7, s4;
	s6 =	sadd.s32 s6, s7;
	s7 =	sadd.s32 s8, s2  }
0xf: {  	v1 =	vlaneseq.u32;
	s8 =	sadd.s32 $0x7C00, s9;
	s9 =	smax.u32 s11, $0x1;
	s11 =	simm.s32 $0xC80  }
0x10: {  	v2 =	vimm.f32 $0.0e+00;
	v4 =	vimm.f32 $1.000000000e+00;
	v3 =	vadd.s32 $0x8048, v1;
	s4 =	sadd.s32 $0x4A00, s10;
	s5 =	sadd.s32 $0x1800, s10;
	s10 =	smin.u32 s31, $0x17A20  }
.LBB2_1:
0x11: {  	[tilespmem:s3], [sflag:$0x1] =	stream.linear.gather [hbm4b:s4+s3], $0xC80, $0x38;
	[tilespmem:$0x6B00] =	vst v63  }
0x12: {  	_ = 	snop  }
0x13: {  	[tilespmem:s11], [sflag:$0x1] =	stream.linear.gather [hbm4b:s5+s3], $0xC80, $0x38;
	[tilespmem:$0x6B00] =	vst v63  }
0x14: {  	s21 =	simm.s32 $0x40;
	s22 =	simm.s32 $0x0  }
0x15: {  	[tilespmem:s12], [sflag:$0x1] =	stream.linear.gather [hbm4b:s6+s3], $0xC80, $0x38;
	[tilespmem:$0x6B00] =	vst v63  }
.LBB2_2:
0x16: {  	p0 =	sne.s32 s21, $0x3FC0;
	[tilespmem:s22+$0x4B00] =	vst v2;
	s22 =	smov.u32 s21;
	s21 =	sadd.s32 $0x40, s21  }
.Ltmp0:
0x17: {  	(pc) =	sbr.rel @p0 .LBB2_2-.Ltmp0, $2  }
0x18: {  	_ =	sdelay $0x2  }
0x19: {  	s22 =	sshra.s32 s22, $0x2  }
0x1a: {  	[tilespmem:s22+$0x4B00] =	vst v2  }
0x1b: {  	[spmem:s7] =	stream.linear.scatter [tilespmem:s13], [sflag:$0x3], $0x1000, $0x38;
	[tilespmem:$0x6B00] =	vst v63  }
0x1c: {  	_ =	swait.ge [sflag:s14], $0x1000  }
0x1d: {  	[sflag:s14] =	ssyncset.done $0x0  }
0x1e: {  	[sflag:s14] =	ssyncadd.s32 $0xFFFFF000  }
0x1f: {  	_ =	swait.ge [sflag:s15], $0xC80  }
0x20: {  	[sflag:s15] =	ssyncset.done $0x0  }
0x21: {  	[sflag:s15] =	ssyncadd.s32 $0xFFFFF380  }
0x22: {  	_ =	swait.ge [sflag:s15], $0xC80  }
0x23: {  	[sflag:s15] =	ssyncset.done $0x0  }
0x24: {  	[sflag:s15] =	ssyncadd.s32 $0xFFFFF380  }
0x25: {  	_ =	swait.ge [sflag:s15], $0xC80  }
0x26: {  	[sflag:s15] =	ssyncset.done $0x0  }
0x27: {  	s22 =	simm.s32 $0x0;
	[sflag:s15] =	ssyncadd.s32 $0xFFFFF380  }
0x28: {  	v5 =	vld [tilespmem:s22+$0x1900]  }
0x29: {  	v6 =	vld [tilespmem:s22+$0x0]  }
0x2a: {  	v7 =	vld [tilespmem:s22+$0xC80]  }
0x2b: {  	v8 =	vor.u32 s10, v1  }
0x2c: {  	vm0 =	vlt.u32 v8, v0  }
0x2d: {  	v5 =	vsel vm0, $0x0, v5  }
0x2e: {  	s21 =	simm.s32 $0x10;
	v8 =	vsel vm0, $0x0, v6;
	[tilespmem:s22+$0x1900] =	vst v5;
	v5 =	vsel vm0, $0x0, v4  }
0x2f: {  	v7 =	vshll.u32 v7, $0x7;
	v9 =	vshll.u32 v8, $0x8;
	v6 =	vld [tilespmem:s21+$0x1900];
	[tilespmem:s22+$0x2580] =	vst v5  }
0x30: {  	v10 =	vsel vm0, $0x0, v7;
	v9 =	vand.u32 $0xFFFF8000, v9;
	v5 =	vld [tilespmem:s21+$0x0]  }
0x31: {  	s24 =	simm.s32 $0x80;
	s25 =	simm.s32 $0xC0;
	s23 =	sadd.s32 $0x10, s10;
	v8 =	vand.u32 $0x7F, v8;
	v7 =	vld [tilespmem:s21+$0xC80];
	v9 =	vadd.s32 v10, v9;
	v10 =	vadd.s32 v3, v10  }
.LBB2_4:
0x32: {  	p0 =	sne.s32 s25, $0x31C0;
	v11 =	vor.u32 s23, v1;
	v8 =	vor.u32 v8, v9;
	[tilespmem:s22+$0x3E80] =	vst v10  }
0x33: {  	vm0 =	vlt.u32 v11, v0;
	[tilespmem:s22+$0x3200] =	vst v8;
	s22 =	smov.u32 s21  }
.Ltmp1:
0x34: {  	v6 =	vsel vm0, $0x0, v6;
	v9 =	vsel vm0, $0x0, v4;
	(pc) =	sbr.rel @p0 .LBB2_4-.Ltmp1, $4  }
0x35: {  	s21 =	sshra.s32 s24, $0x2;
	s24 =	smov.u32 s25;
	v5 =	vsel vm0, $0x0, v5;
	[tilespmem:s22+$0x1900] =	vst v6  }
0x36: {  	v6 =	vld [tilespmem:s21+$0x1900];
	v10 =	vshll.u32 v5, $0x8;
	v7 =	vshll.u32 v7, $0x7;
	v8 =	vand.u32 $0x7F, v5;
	[tilespmem:s22+$0x2580] =	vst v9  }
0x37: {  	v5 =	vld [tilespmem:s21+$0x0];
	v9 =	vand.u32 $0xFFFF8000, v10;
	v10 =	vsel vm0, $0x0, v7  }
0x38: {  	s23 =	sadd.s32 $0x10, s23;
	s25 =	sadd.s32 $0x40, s25;
	v7 =	vld [tilespmem:s21+$0xC80];
	v9 =	vadd.s32 v10, v9;
	v10 =	vadd.s32 v3, v10  }
0x39: {  	v11 =	vor.u32 s23, v1  }
0x3a: {  	v8 =	vor.u32 v8, v9;
	[tilespmem:s22+$0x3E80] =	vst v10;
	vm0 =	vlt.u32 v11, v0  }
0x3b: {  	[tilespmem:s22+$0x3200] =	vst v8;
	v6 =	vsel vm0, $0x0, v6  }
0x3c: {  	s30 =	sshra.s32 s24, $0x2;
	[tilespmem:s21+$0x1900] =	vst v6;
	v6 =	vsel vm0, $0x0, v4  }
0x3d: {  	v8 =	vld [tilespmem:s30+$0x1900];
	[tilespmem:s21+$0x2580] =	vst v6  }
0x3e: {  	v6 =	vld [tilespmem:s30+$0x0]  }
0x3f: {  	s31 =	sadd.s32 $0x10, s23;
	v5 =	vsel vm0, $0x0, v5;
	v59 =	vld [tilespmem:s30+$0xC80]  }
0x40: {  	v61 =	vor.u32 s31, v1;
	v60 =	vshll.u32 v5, $0x8;
	v7 =	vshll.u32 v7, $0x7  }
0x41: {  	vm15 =	vlt.u32 v61, v0;
	v10 =	vand.u32 $0xFFFF8000, v60;
	v7 =	vsel vm0, $0x0, v7  }
0x42: {  	v5 =	vand.u32 $0x7F, v5;
	v10 =	vadd.s32 v7, v10;
	v7 =	vadd.s32 v3, v7  }
0x43: {  	v5 =	vor.u32 v5, v10;
	[tilespmem:s21+$0x3E80] =	vst v7;
	v6 =	vsel vm15, $0x0, v6  }
0x44: {  	[tilespmem:s21+$0x3200] =	vst v5;
	v5 =	vsel vm15, $0x0, v8;
	v62 =	vshll.u32 v59, $0x7;
	v7 =	vshll.u32 v6, $0x8  }
0x45: {  	v63 =	vsel vm15, $0x0, v4;
	[tilespmem:s30+$0x1900] =	vst v5;
	v5 =	vand.u32 $0xFFFF8000, v7;
	v7 =	vsel vm15, $0x0, v62  }
0x46: {  	[tilespmem:s30+$0x2580] =	vst v63;
	v6 =	vand.u32 $0x7F, v6;
	v5 =	vadd.s32 v7, v5;
	v7 =	vadd.s32 v3, v7  }
0x47: {  	v5 =	vor.u32 v6, v5;
	[tilespmem:s30+$0x3E80] =	vst v7  }
0x48: {  	[tilespmem:s30+$0x3200] =	vst v5  }
0x49: {  	[bflag:$0x0] =	sbarrier.arrive $0xFFFF  }
0x4a: {  	[spmem:s2] =	stream.indirect.scatter.add.f32 [tilespmem:s12], [sflag:$0x1], $0x1, s16, s11, $0xb8;
	[tilespmem:$0x6B00] =	vst v63  }
0x4b: {  	_ = 	snop  }
0x4c: {  	[spmem:s2] =	stream.indirect.scatter.add.f32 [tilespmem:s18], [sflag:$0x2], $0x1, s17, s11, $0xb8;
	[tilespmem:$0x6B00] =	vst v63  }
0x4d: {  	_ =	swait.ge [sflag:s15], $0xC80  }
0x4e: {  	[sflag:s15] =	ssyncset.done $0x0  }
0x4f: {  	[sflag:s15] =	ssyncadd.s32 $0xFFFFF380  }
0x50: {  	_ =	swait.ge [sflag:s19], $0xC80  }
0x51: {  	[sflag:s19] =	ssyncset.done $0x0  }
0x52: {  	[sflag:s19] =	ssyncadd.s32 $0xFFFFF380  }
0x53: {  	[bflag:$0x0] =	sbarrier.arrive $0xFFFF  }
0x54: {  	[tilespmem:s13], [sflag:$0x3] =	stream.linear.gather [spmem:s7], $0x1000, $0x38;
	[tilespmem:$0x6B00] =	vst v63  }
0x55: {  	s20 =	sadd.s32 $0x1, s20;
	_ =	swait.ge [sflag:s14], $0x1000  }
0x56: {  	p0 =	sne.s32 s20, s9;
	[sflag:s14] =	ssyncset.done $0x0  }
.Ltmp2:
0x57: {  	[sflag:s14] =	ssyncadd.s32 $0xFFFFF000;
	(pc) =	sbr.rel @p0 .LBB2_1-.Ltmp2, $4  }
0x58: {  	[hbm4b:s8+s3] =	stream.linear.scatter [tilespmem:s13], [sflag:$0x3], $0x1000, $0x38;
	[tilespmem:$0x6B00] =	vst v63  }
0x59: {  	_ =	swait.ge [sflag:s14], $0x1000  }
0x5a: {  	[sflag:s14] =	ssyncset.done $0x0  }
0x5b: {  	[sflag:s14] =	ssyncadd.s32 $0xFFFFF000  }
0x5c: {  	_ =	sfence.sel $0x180000  }
0x5d: {  	[bflag:$0x0] =	sbarrier.arrive $0xFFFF  }
0x5e: {  	p0 =	sne.s32 s0, $0x0;
	_ =	strace $0x90000047  }
0x5f: {  	s0 =	sadd.s32 @!p0 $0x100000, s1;
	[bflag:$0x2] =	sbarrier.arrive $0xFFFF  }
0x60: {  	[sflag:s0] =	ssyncadd.tile.s32 @!p0 $0x1;
	_ =	shalt  }
.Lfunc_end2:
_tile_overlayer_lowered:
.L_overlay_start_2:
0x61: {  	(tag) =	ssettag $0x2  }
0x62: {  	s0 =	rddreg [dreg:$0x0];
	s2 =	stileid.u32  }
0x63: {  	s1 =	rddreg [dreg:$0x1];
	p0 =	sne.s32 s2, $0x0  }
0x64: {  	s3 =	rddreg [dreg:$0x2];
	[bflag:$0x3] =	sbarrier.arrive $0xFFFF;
	s2 =	simm.s32 @!p0 $0x1C03  }
0x65: {  	[timem:s3], [sflag:s2] =	dma.local @!p0 [hbm:s0], s1  }
0x66: {  	s0 =	simm.s32 @!p0 $0x3  }
0x67: {  	_ =	swait.ge @!p0 [sflag:s0], s1  }
0x68: {  	s1 =	ssub.s32 @!p0 $0x0, s1;
	[sflag:s0] =	ssyncset.done @!p0 $0x0  }
0x69: {  	[sflag:s0] =	ssyncadd.s32 @!p0 s1  }
0x6a: {  	[bflag:$0x3] =	sbarrier.arrive $0xFFFF  }
0x6b: {  	_ =	shalt  }

</sc_bundles>
